<compile_context>
chip_gen: v7x
topology: tpu7x:2x2x1
jax: 0.10.2.dev20260603
libtpu: 0.0.44.dev20260713+nightly
codegen_flags: <defaults>
</compile_context>

<pallas_src>
import functools

import jax
import jax.numpy as jnp
from jax import lax
from jax.experimental import pallas as pl
from jax.experimental.pallas import tpu as pltpu
from jax.experimental.pallas import tpu_sc as plsc

RATIO = 3
NC, NS, L = 2, 16, 16

CHUNK_OUT = 8000
CHUNK_IN = CHUNK_OUT * RATIO


def _make_sc_kernel(B, n_out):
    out_per_w = n_out // NC
    in_per_w = out_per_w * RATIO
    n_chunks = out_per_w // CHUNK_OUT
    mesh = plsc.VectorSubcoreMesh(core_axis_name="c", subcore_axis_name="s")

    @functools.partial(
        pl.kernel,
        mesh=mesh,
        out_type=jax.ShapeDtypeStruct((B * n_out,), jnp.float32),
        scratch_types=[
            pltpu.VMEM((CHUNK_IN,), jnp.float32),
            pltpu.VMEM((CHUNK_OUT,), jnp.float32),
        ],
        compiler_params=pltpu.CompilerParams(needs_layout_passes=False),
    )
    def k(wav_hbm, out_hbm, in_v, out_v):
        row = lax.axis_index("s")
        half = lax.axis_index("c")
        in_base = row * (n_out * RATIO) + half * in_per_w
        out_base = row * n_out + half * out_per_w
        iota3 = lax.iota(jnp.int32, L) * RATIO

        def chunk_body(c, _):
            pltpu.sync_copy(
                wav_hbm.at[pl.ds(in_base + c * CHUNK_IN, CHUNK_IN)],
                in_v)

            def gather_body(i, _):
                idx = iota3 + i * (L * RATIO)
                out_v[pl.ds(i * L, L)] = plsc.load_gather(in_v, [idx])
                return 0

            lax.fori_loop(0, CHUNK_OUT // L, gather_body, 0)
            pltpu.sync_copy(
                out_v,
                out_hbm.at[pl.ds(out_base + c * CHUNK_OUT, CHUNK_OUT)])
            return 0

        lax.fori_loop(0, n_chunks, chunk_body, 0)

    return k


def kernel(wav):
    wav = wav.reshape(wav.shape[0], -1)
    B, n = wav.shape
    n_out = n // RATIO
    flat = _make_sc_kernel(B, n_out)(wav.reshape(-1))
    return flat.reshape(B, n_out)

# --- scband reference (transcript-rebuilt; emitter-appended) ---
"""Pipeline reference for scband-change-sample-rate-4758823764171 (READ-ONLY COPY).

The authoritative reference and input builder live on the scoring server;
editing this copy changes nothing except your own understanding.
"""

import jax, jax.numpy as jnp
import numpy as np

INPUT_RATE = 48000
OUTPUT_RATE = 16000


def setup_inputs(seed: int = 0) -> dict:
    key = jax.random.key(seed)
    wav = jax.random.normal(key, (16, 480000), dtype=jnp.float32)
    return {"wav": wav}


def reference(wav):
    wav = wav.reshape(wav.shape[0], -1)
    n = wav.shape[-1]
    new_length = n * OUTPUT_RATE // INPUT_RATE
    indices = jnp.arange(new_length, dtype=jnp.float32) * (INPUT_RATE / OUTPUT_RATE)
    idx = indices.astype(jnp.int32)
    round_down = wav[:, idx]
    round_up = wav[:, jnp.clip(idx + 1, 0, n - 1)]
    frac = jnp.mod(indices, 1.0)
    output = round_down * (1.0 - frac)[None, :] + round_up * frac[None, :]
    return output

if __name__ == "__main__":
    import jax
    _d = setup_inputs()
    print(jax.jit(kernel)(*tuple(_d.values())))

</pallas_src>

<mosaic_0001>
#map = affine_map<(d0, d1) -> (0)>
module attributes {stable_mosaic.version = 14 : i64} {
  func.func @k(%arg0: i32, %arg1: i32, %arg2: memref<7680000xf32, #tpu.memory_space<hbm>>, %arg3: memref<2560000xf32, #tpu.memory_space<hbm>>, %arg4: memref<24000xf32, #tpu.memory_space<vmem>>, %arg5: memref<8000xf32, #tpu.memory_space<vmem>>) attributes {dimension_semantics = [#tpu.dimension_semantics<core_parallel>, #tpu.dimension_semantics<subcore_parallel>], iteration_bounds = array<i64: 2, 16>, scalar_prefetch = 0 : i64, scratch_operands = 2 : i64, tpu.core_type = #tpu.core_type<sc_vector_subcore>, window_params = [{transform_indices = #map}, {transform_indices = #map}]} {
    %mul3A = arith.constant 480000 : i32
    %mul3A_0 = arith.muli %arg1, %mul3A : i32
    %mul3A_1 = arith.constant 240000 : i32
    %mul3A_2 = arith.muli %arg0, %mul3A_1 : i32
    %add3A = arith.addi %mul3A_0, %mul3A_2 : i32
    %mul3A_3 = arith.constant 160000 : i32
    %mul3A_4 = arith.muli %arg1, %mul3A_3 : i32
    %mul3A_5 = arith.constant 80000 : i32
    %mul3A_6 = arith.muli %arg0, %mul3A_5 : i32
    %add3A_7 = arith.addi %mul3A_4, %mul3A_6 : i32
    %iota3A = tpu.iota {dimensions = array<i32: 0>} : vector<16xi32>
    %mul3A_8 = arith.constant 3 : i32
    %mul3A_9 = vector.broadcast %mul3A_8 : i32 to vector<16xi32>
    %mul3A_10 = arith.muli %iota3A, %mul3A_9 : vector<16xi32>
    %scan3A = arith.constant 0 : i32
    %scan3A_11 = arith.constant 0 : i32
    %scan3A_12 = arith.constant 10 : i32
    %scan3A_13 = arith.addi %scan3A_11, %scan3A_12 : i32
    %scan3A_14 = arith.constant 1 : i32
    %scan3A_15 = scf.for %scan3A_17 = %scan3A_11 to %scan3A_13 step %scan3A_14 iter_args(%scan3A_18 = %scan3A) -> (i32)  : i32 {
      %mul3A_19 = arith.constant 24000 : i32
      %mul3A_20 = arith.muli %scan3A_17, %mul3A_19 : i32
      %add3A_21 = arith.addi %add3A, %mul3A_20 : i32
      "tpu.region"() ({
        %run_scoped3A = tpu.sem_alloc : memref<!tpu.dma_semaphore, #tpu.memory_space<semaphore_mem>>
        %dma_start3A = tpu.memref_slice %arg2[%add3A_21] : memref<7680000xf32, #tpu.memory_space<hbm>> -> memref<24000xf32, #tpu.memory_space<hbm>>
        %dma_start3A_33 = tpu.memref_slice %arg2[%add3A_21] : memref<7680000xf32, #tpu.memory_space<hbm>> -> memref<24000xf32, #tpu.memory_space<hbm>>
        tpu.enqueue_dma source(%dma_start3A_33 : memref<24000xf32, #tpu.memory_space<hbm>>) target(%arg4 : memref<24000xf32, #tpu.memory_space<vmem>>) target_semaphore(%run_scoped3A : memref<!tpu.dma_semaphore, #tpu.memory_space<semaphore_mem>>)
        %dma_wait3A = tpu.memref_slice %arg2[%add3A_21] : memref<7680000xf32, #tpu.memory_space<hbm>> -> memref<24000xf32, #tpu.memory_space<hbm>>
        %dma_wait3A_34 = tpu.memref_slice %arg2[%add3A_21] : memref<7680000xf32, #tpu.memory_space<hbm>> -> memref<24000xf32, #tpu.memory_space<hbm>>
        tpu.wait_dma2 semaphore(%run_scoped3A : memref<!tpu.dma_semaphore, #tpu.memory_space<semaphore_mem>>) src(%dma_wait3A_34 : memref<24000xf32, #tpu.memory_space<hbm>>) dst(%arg4 : memref<24000xf32, #tpu.memory_space<vmem>>)
        tpu.yield
      }) : () -> ()
      %scan3A_22 = arith.constant 0 : i32
      %scan3A_23 = arith.constant 0 : i32
      %scan3A_24 = arith.constant 500 : i32
      %scan3A_25 = arith.addi %scan3A_23, %scan3A_24 : i32
      %scan3A_26 = arith.constant 1 : i32
      %scan3A_27 = scf.for %scan3A_33 = %scan3A_23 to %scan3A_25 step %scan3A_26 iter_args(%scan3A_34 = %scan3A_22) -> (i32)  : i32 {
        %mul3A_35 = arith.constant 48 : i32
        %mul3A_36 = arith.muli %scan3A_33, %mul3A_35 : i32
        %add3A_37 = vector.broadcast %mul3A_36 : i32 to vector<16xi32>
        %add3A_38 = arith.addi %mul3A_10, %add3A_37 : vector<16xi32>
        %gather3A = tpu.vector_load_idx %arg4[%add3A_38] : memref<24000xf32, #tpu.memory_space<vmem>>[vector<16xi32>], vector<16xf32>,
        %mul3A_39 = arith.constant 16 : i32
        %mul3A_40 = arith.muli %scan3A_33, %mul3A_39 : i32
        %swap3A = arith.index_cast %mul3A_40 : i32 to index
        %swap3A_41 = tpu.vector_load %arg5[%swap3A] {strides = array<i32>} : memref<8000xf32, #tpu.memory_space<vmem>>, vector<16xf32>,
        tpu.vector_store %arg5[%swap3A], %gather3A {strides = array<i32>} : memref<8000xf32, #tpu.memory_space<vmem>>, vector<16xf32>,
        %scan3A_42 = arith.constant 0 : i32
        scf.yield %scan3A_42 : i32
      }
      %scan3A_28 = arith.constant 500 : i32
      %mul3A_29 = arith.constant 8000 : i32
      %mul3A_30 = arith.muli %scan3A_17, %mul3A_29 : i32
      %add3A_31 = arith.addi %add3A_7, %mul3A_30 : i32
      "tpu.region"() ({
        %run_scoped3A = tpu.sem_alloc : memref<!tpu.dma_semaphore, #tpu.memory_space<semaphore_mem>>
        %dma_start3A = tpu.memref_slice %arg3[%add3A_31] : memref<2560000xf32, #tpu.memory_space<hbm>> -> memref<8000xf32, #tpu.memory_space<hbm>>
        %dma_start3A_33 = tpu.memref_slice %arg3[%add3A_31] : memref<2560000xf32, #tpu.memory_space<hbm>> -> memref<8000xf32, #tpu.memory_space<hbm>>
        tpu.enqueue_dma source(%arg5 : memref<8000xf32, #tpu.memory_space<vmem>>) target(%dma_start3A_33 : memref<8000xf32, #tpu.memory_space<hbm>>) target_semaphore(%run_scoped3A : memref<!tpu.dma_semaphore, #tpu.memory_space<semaphore_mem>>)
        %dma_wait3A = tpu.memref_slice %arg3[%add3A_31] : memref<2560000xf32, #tpu.memory_space<hbm>> -> memref<8000xf32, #tpu.memory_space<hbm>>
        %dma_wait3A_34 = tpu.memref_slice %arg3[%add3A_31] : memref<2560000xf32, #tpu.memory_space<hbm>> -> memref<8000xf32, #tpu.memory_space<hbm>>
        tpu.wait_dma2 semaphore(%run_scoped3A : memref<!tpu.dma_semaphore, #tpu.memory_space<semaphore_mem>>) src(%arg5 : memref<8000xf32, #tpu.memory_space<vmem>>) dst(%dma_wait3A_34 : memref<8000xf32, #tpu.memory_space<hbm>>)
        tpu.yield
      }) : () -> ()
      %scan3A_32 = arith.constant 0 : i32
      scf.yield %scan3A_32 : i32
    }
    %scan3A_16 = arith.constant 10 : i32
    return
  }
}

</mosaic_0001>

<sc_bundles>
// kernel: kernel.3.cloned.1.call-start
scs
__scs_entry_jumppad:
0x0: {  	(pc) =	sbr.rel $0x88, $3  }
0x1: {  	(tag) =	ssettag $0x0;
	lr =	simm.s32 $0x1  }
0x2: {  	[smem:$0x3FA0] =	sst lr;
	_ =	strace $0xD0000000  }
0x3: {  	_ = 	snop  }
0x4: {  	_ = 	snop  }
0x5: {  	_ = 	snop  }
0x6: {  	_ = 	snop  }
0x7: {  	_ = 	snop  }
__scs_overlays_trampoline_lowered:
0x8: {  	[smem:$0x3FAF] =	sst s0  }
0x9: {  	[smem:$0x3FB0] =	sst s1  }
0xa: {  	[smem:$0x3FB1] =	sst s2  }
0xb: {  	[smem:$0x3FB2] =	sst s3  }
0xc: {  	[smem:$0x3FB3] =	sst s4  }
0xd: {  	[smem:$0x3FB4] =	sst s5  }
0xe: {  	[smem:$0x3FB5] =	sst s6  }
0xf: {  	[smem:$0x3FB6] =	sst s7  }
0x10: {  	[smem:$0x3FB7] =	sst s8  }
0x11: {  	[smem:$0x3FB8] =	sst s9;
	s0 =	simm.s32 @!p0 $0x0  }
0x12: {  	s1 =	sld [smem:$0x3F9E];
	s0 =	simm.s32 @p0 $0x1  }
0x13: {  	[smem:$0x3FB9] =	sst s0;
	s0 =	simm.s32 @!p1 $0x0  }
0x14: {  	s2 =	sld [smem:$0x3F9D];
	s0 =	simm.s32 @p1 $0x1  }
0x15: {  	[smem:$0x3FBA] =	sst s0;
	s0 =	simm.s32 @!p2 $0x0  }
0x16: {  	s3 =	sld [smem:$0x3FDB];
	s0 =	simm.s32 @p2 $0x1  }
0x17: {  	s4 =	simm.s32 $0x1BF5;
	[smem:$0x3FBC] =	sst s0  }
0x18: {  	s0 =	sld [smem:$0x3F9F];
	_ =	swait.ge [sflag:s4], $0x0  }
0x19: {  	s7 =	sld [smem:$0x3FA0]  }
0x1a: {  	s8 =	sadd.s32 $0xFFFFE003, lr  }
0x1b: {  	s9 =	sadd.s32 $0xFFFFFEF7, lr;
	s5 =	simm.s32 $0xFFFFFFFF;
	p2 =	slt.u32 s8, $0xFFFFF086  }
0x1c: {  	p1 =	slt.u32 s9, $0xF7A;
	s5 =	simm.s32 @!p2 $0x0  }
0x1d: {  	s5 =	simm.s32 @p1 $0x1;
	p0 =	seq.s32 s7, s2  }
0x1e: {  	s7 =	smul.u32 @!p0 $0xF7A, s2;
	p2 =	seq.s32 @!p0 s5, $0x0  }
0x1f: {  	s9 =	smul.u32 $0xF7A, s1;
	s8 =	simm.s32 @!p0 $0x1BF5;
	p2 =	por !p2, p0  }
0x20: {  	[sflag:s8] =	ssyncset.s32 @!p0 $0xFFFFF086;
	s6 =	sadd.s32 @!p0 s3, s7;
	s7 =	simm.s32 @!p0 $0x108  }
0x21: {  	s3 =	sadd.s32 s3, s9;
	s6 =	sadd.s32 @!p0 $0x88, s6;
	s7 =	simm.s32 @p2 $0x1082  }
0x22: {  	[simem:s7], [sflag:s8] =	dma.local @!p0 [hbm:s6], $0xF7A  }
0x23: {  	s9 =	sor.u32 $0xD0000000, s2;
	s6 =	simm.s32 $0x108;
	_ =	swait.ge @!p0 [sflag:s8], $0x0  }
0x24: {  	s3 =	sadd.s32 $0x88, s3;
	s6 =	simm.s32 @!p1 $0x1082;
	[sflag:s4] =	ssyncset.s32 $0xFFFFF086  }
0x25: {  	[simem:s6], [sflag:s4] =	dma.local [hbm:s3], $0xF7A  }
0x26: {  	[smem:$0x3FA0] =	sst s1;
	(tag) =	ssettag s2;
	_ =	strace s9  }
0x27: {  	s1 =	sld [smem:$0x3FB0]  }
0x28: {  	s2 =	sld [smem:$0x3FB1]  }
0x29: {  	s4 =	sld [smem:$0x3FB3]  }
0x2a: {  	p0 =	seq.s32 s5, $0x0;
	s5 =	sld [smem:$0x3FB4]  }
0x2b: {  	s6 =	sld [smem:$0x3FB5]  }
0x2c: {  	s7 =	sld [smem:$0x3FB6]  }
0x2d: {  	s3 =	simm.s32 $0x108;
	s8 =	sld [smem:$0x3FB7]  }
0x2e: {  	s3 =	simm.s32 @!p0 $0x1082;
	s9 =	sld [smem:$0x3FB8]  }
0x2f: {  	lr =	sadd.s32 s0, s3;
	s0 =	sld [smem:$0x3FAF]  }
0x30: {  	s3 =	sld [smem:$0x3FB2]  }
0x31: {  	[smem:$0x3FBB] =	sst s10  }
0x32: {  	s10 =	sld [smem:$0x3FB9];
	_ =	sdelay $0x3  }
0x33: {  	p0 =	seq.s32 s10, $0x1;
	s10 =	sld [smem:$0x3FBB];
	_ =	sdelay $0x3  }
0x34: {  	[smem:$0x3FBB] =	sst s10  }
0x35: {  	s10 =	sld [smem:$0x3FBA];
	_ =	sdelay $0x3  }
0x36: {  	p1 =	seq.s32 s10, $0x1;
	s10 =	sld [smem:$0x3FBB];
	_ =	sdelay $0x3  }
0x37: {  	[smem:$0x3FBB] =	sst s10  }
0x38: {  	s10 =	sld [smem:$0x3FBC]  }
0x39: {  	_ = 	snop;
	(pc) =	sbr.ind lr, $3  }
0x3a: {  	_ = 	snop  }
0x3b: {  	_ = 	snop  }
0x3c: {  	p2 =	seq.s32 s10, $0x1;
	s10 =	sld [smem:$0x3FBB]  }
0x3d: {  	_ =	shalt  }
0x3e: {  	_ =	shalt  }
0x3f: {  	_ =	shalt  }
0x40: {  	_ =	shalt  }
0x41: {  	_ =	shalt  }
0x42: {  	_ =	shalt  }
0x43: {  	_ =	shalt  }
0x44: {  	_ =	shalt  }
0x45: {  	_ =	shalt  }
0x46: {  	_ =	shalt  }
0x47: {  	_ =	shalt  }
0x48: {  	_ =	shalt  }
0x49: {  	_ =	shalt  }
0x4a: {  	_ =	shalt  }
0x4b: {  	_ =	shalt  }
0x4c: {  	_ =	shalt  }
0x4d: {  	_ =	shalt  }
0x4e: {  	_ =	shalt  }
0x4f: {  	_ =	shalt  }
0x50: {  	_ =	shalt  }
0x51: {  	_ =	shalt  }
0x52: {  	_ =	shalt  }
0x53: {  	_ =	shalt  }
0x54: {  	_ =	shalt  }
0x55: {  	_ =	shalt  }
0x56: {  	_ =	shalt  }
0x57: {  	_ =	shalt  }
0x58: {  	_ =	shalt  }
0x59: {  	_ =	shalt  }
0x5a: {  	_ =	shalt  }
0x5b: {  	_ =	shalt  }
0x5c: {  	_ =	shalt  }
0x5d: {  	_ =	shalt  }
0x5e: {  	_ =	shalt  }
0x5f: {  	_ =	shalt  }
0x60: {  	_ =	shalt  }
0x61: {  	_ =	shalt  }
0x62: {  	_ =	shalt  }
0x63: {  	_ =	shalt  }
0x64: {  	_ =	shalt  }
0x65: {  	_ =	shalt  }
0x66: {  	_ =	shalt  }
0x67: {  	_ =	shalt  }
0x68: {  	_ =	shalt  }
0x69: {  	_ =	shalt  }
0x6a: {  	_ =	shalt  }
0x6b: {  	_ =	shalt  }
0x6c: {  	_ =	shalt  }
0x6d: {  	_ =	shalt  }
0x6e: {  	_ =	shalt  }
0x6f: {  	_ =	shalt  }
0x70: {  	_ =	shalt  }
0x71: {  	_ =	shalt  }
0x72: {  	_ =	shalt  }
0x73: {  	_ =	shalt  }
0x74: {  	_ =	shalt  }
0x75: {  	_ =	shalt  }
0x76: {  	_ =	shalt  }
0x77: {  	_ =	shalt  }
0x78: {  	_ =	shalt  }
0x79: {  	_ =	shalt  }
0x7a: {  	_ =	shalt  }
0x7b: {  	_ =	shalt  }
0x7c: {  	_ =	shalt  }
0x7d: {  	_ =	shalt  }
0x7e: {  	_ =	shalt  }
0x7f: {  	_ =	shalt  }
0x80: {  	_ =	shalt  }
0x81: {  	_ =	shalt  }
0x82: {  	_ =	shalt  }
0x83: {  	_ =	shalt  }
0x84: {  	_ =	shalt  }
0x85: {  	_ =	shalt  }
0x86: {  	_ =	shalt  }
0x87: {  	_ =	shalt  }
.Lfunc_end0:
.L_simem_size_0:
called_computation_lowered:
.L_overlay_start_0:
0x88: {  	s2 =	sld [smem:$0x3FD9]  }
0x89: {  	s3 =	sld [smem:$0x3FFE];
	_ =	sdelay $0x1  }
0x8a: {  	s1 =	srdreg.scid  }
0x8b: {  	s0 =	sand.u32 $0x1, s1  }
0x8c: {  	s16 =	sshll.u32 s0, $0xA;
	s2 =	sadd.s32 s3, s2  }
0x8d: {  	s2 =	sadd.s32 s2, s16  }
0x8e: {  	[smem:$0x3FC7] =	sst s2  }
0x8f: {  	_ = 	snop  }
0x90: {  	(tm) =	ssettm $0x1  }
0x91: {  	s17 =	sld [smem:$0x3FFB];
	_ =	sdelay $0x3  }
0x92: {  	_ =	strace s17  }
0x93: {  	s2 =	sld [smem:$0x3FFC];
	_ =	sdelay $0x3  }
0x94: {  	_ =	strace s2  }
0x95: {  	s2 =	sld [smem:$0x3FFD];
	_ =	sdelay $0x3  }
0x96: {  	_ =	strace s2  }
0x97: {  	_ =	strace $0x8FFFFFFF  }
0x98: {  	s18 =	sld [smem:$0x3FDB];
	_ =	sdelay $0x1  }
0x99: {  	s19 =	simm.s32 $_scs_section_size  }
0x9a: {  	s4 =	simm.s32 $_size__tile_overlayer_lowered;
	s5 =	simm.s32 $_tile_overlayer_lowered  }
0x9b: {  	s22 =	simm.s32 $0x1BFF;
	s21 =	sshll.u32 s5, $0x1;
	s2 =	sadd.s32 s19, s18  }
0x9c: {  	s6 =	simm.s32 $0x0;
	s20 =	sshll.u32 s4, $0x1;
	s4 =	sadd.s32 s21, s2  }
0x9d: {  	[timem:s6], [sflag:s22] =	dma.local [hbm:s4], s20  }
0x9e: {  	_ =	swait.ge [sflag:s22], s20  }
0x9f: {  	s3 =	ssub.s32 $0x0, s20;
	[sflag:s22] =	ssyncset.done $0x0  }
0xa0: {  	[sflag:s22] =	ssyncadd.s32 s3;
	_ =	sdelay $0x1  }
0xa1: {  	s23 =	simm.s32 $0x1B8B  }
0xa2: {  	_ =	swait.ge [sflag:s23], $0x1  }
0xa3: {  	[sflag:s23] =	ssyncset.done $0x0  }
0xa4: {  	s25 =	simm.s32 $0x1B8E;
	s24 =	sld [smem:$0x3FFE];
	[sflag:s23] =	ssyncadd.s32 $0xFFFFFFFF  }
0xa5: {  	s26 =	simm.s32 $execute0_lowered;
	[smem:$0x3FD2] =	sst s25  }
0xa6: {  	s4 =	sshll.u32 s26, $0x1;
	_ =	strace $0x80000046;
	[dreg:$0x1] =	wrdreg $0xFFFFFFFF  }
0xa7: {  	s28 =	simm.s32 $_size_execute0_lowered;
	s2 =	sadd.s32 s2, s4;
	[dreg:$0x0] =	wrdreg $0x0  }
0xa8: {  	s4 =	sshll.u32 s28, $0x1;
	[dreg:$0x2] =	wrdreg s2  }
0xa9: {  	[dreg:$0x3] =	wrdreg s4  }
0xaa: {  	[dreg:$0x4] =	wrdreg $0xC0  }
0xab: {  	_ =	task [dreg:s6], $0x5FFFF  }
0xac: {  	[dreg:$0x1] =	wrdreg $0xFFFFFFFF  }
0xad: {  	[dreg:$0x0] =	wrdreg $0x60  }
0xae: {  	[dreg:$0x2] =	wrdreg s24  }
0xaf: {  	[dreg:$0x3] =	wrdreg $0x9  }
0xb0: {  	_ =	task.clear_ibuf [dreg:s6], $0x4FFFF;
	_ =	strace $0x90000046  }
0xb1: {  	s29 =	simm.s32 $0x9;
	_ =	strace $0x80000048  }
0xb2: {  	_ =	swait.ge [sflag:s29], $0x1  }
0xb3: {  	[sflag:s29] =	ssyncadd.s32 $0xFFFFFFFF  }
0xb4: {  	_ =	strace $0x90000048  }
0xb5: {  	_ =	sfence  }
0xb6: {  	s30 =	sld [smem:$0x0];
	_ =	sdelay $0x2  }
0xb7: {  	s31 =	sshll.u32 s1, $0xD;
	s1 =	sshrl.u32 s1, $0x2  }
0xb8: {  	s3 =	sand.u32 $0x4000, s31;
	s1 =	sadd.s32 s1, s30  }
0xb9: {  	s0 =	sor.u32 s3, s0;
	s1 =	sshll.u32 s1, $0x11  }
0xba: {  	s0 =	sor.u32 s1, s0  }
0xbb: {  	s0 =	sadd.s32 $0x8F2B, s0  }
0xbc: {  	[sflag:s0] =	ssyncadd.remote.s32 $0x1  }
0xbd: {  	_ =	sfence.sel $0xFFFF  }
0xbe: {  	[dreg:$0x0] =	wrdreg $0xFFFFFFFF;
	(pc) =	sbr.abs _section_cstart, $3  }
0xbf: {  	[dreg:$0x1] =	wrdreg $0xFFFFFFFF  }
0xc0: {  	_ =	task.clear_ibuf [dreg:s6], $0x2FFFF;
	_ =	strace $0x9FFFFFFF  }
0xc1: {  	(tm) =	ssettm $0x7FFFFFFF  }
tec
execute0_lowered:
.L_overlay_start_1:
0x0: {  	(tag) =	ssettag $0x1  }
0x1: {  	s1 =	srdreg.scid;
	s0 =	stileid.u32  }
0x2: {  	s4 =	rddreg [dreg:$0x0];
	s2 =	simm.s32 $0x0;
	s5 =	smul.u32 $0x75300, s0  }
0x3: {  	s3 =	sand.u32 $0x1, s1;
	s1 =	rddreg [dreg:$0x1];
	s8 =	smul.u32 $0x27100, s0  }
0x4: {  	[smem:$0x7FF] =	sst s2;
	s6 =	smul.u32 $0x3A980, s3;
	s7 =	ssub.s32 $0x2, s3  }
0x5: {  	_ =	strace $0x80000047;
	s10 =	smul.u32 $0x13880, s3;
	s9 =	sshrl.u32 s7, $0x1  }
0x6: {  	s3 =	sadd.s32 $0x400, s4;
	s4 =	sadd.s32 $0xEAA00, s4;
	s7 =	ssub.s32 s7, s9  }
0x7: {  	v0 =	vlaneseq.u32;
	s5 =	sadd.s32 s6, s5;
	s6 =	sadd.s32 s10, s8;
	s8 =	simm.s32 $0x1  }
0x8: {  	v0 =	vmul.u32 $0x3, v0;
	s9 =	simm.s32 $0x5E00;
	s10 =	simm.s32 $0x0;
	s7 =	smax.u32 s7, $0x1  }
.LBB2_1:
0x9: {  	s11 =	simm.s32 $0x0  }
.LBB2_2:
0xa: {  	s12 =	smul.u32 $0x5DC0, s11;
	_ =	sdelay $0x1  }
0xb: {  	s12 =	sadd.s32 s12, s5  }
0xc: {  	s13 =	simm.s32 $0x0;
	s12 =	sshrl.u32 s12, $0x3  }
0xd: {  	v1 =	vadd.s32 s13, v0;
	s12 =	sadd.s32 s3, s12  }
0xe: {  	[tilespmem:s13], [sflag:$0x1] =	stream.linear.gather [hbm4b:s12+s13], $0x5DC0, $0x38;
	[tilespmem:$0x7D80] =	vst v63  }
0xf: {  	_ =	swait.ge [sflag:s8], $0x5DC0  }
0x10: {  	[sflag:s8] =	ssyncset.done $0x0  }
0x11: {  	[sflag:s8] =	ssyncadd.s32 $0xFFFFA240  }
0x12: {  	s30 =	simm.s32 $0x30;
	v1 =	vld.idx.msk [tilespmem:v1+s2+$0x0], $0xffff  }
0x13: {  	v2 =	vadd.s32 s30, v0;
	_ =	sdelay $0x2  }
0x14: {  	s12 =	simm.s32 $0x5E00  }
0x15: {  	[tilespmem:s12+$0x0] =	vst v1  }
0x16: {  	s31 =	simm.s32 $0x60;
	v1 =	vld.idx.msk [tilespmem:v2+s2+$0x0], $0xffff  }
0x17: {  	s13 =	simm.s32 $0x90;
	v2 =	vadd.s32 s31, v0  }
.LBB2_3:
0x18: {  	p0 =	sne.s32 s13, $0x5D90;
	_ =	sdelay $0x1  }
.Ltmp0:
0x19: {  	s12 =	sadd.s32 $0x10, s12;
	(pc) =	sbr.rel @p0 .LBB2_3-.Ltmp0, $3  }
0x1a: {  	[tilespmem:s12+$0x0] =	vst v1  }
0x1b: {  	v1 =	vld.idx.msk [tilespmem:v2+s2+$0x0], $0xffff;
	_ =	sdelay $0x1  }
0x1c: {  	v2 =	vadd.s32 s13, v0;
	s13 =	sadd.s32 $0x30, s13  }
0x1d: {  	_ =	sdelay $0x1  }
0x1e: {  	s12 =	sadd.s32 $0x10, s12  }
0x1f: {  	[tilespmem:s12+$0x0] =	vst v1  }
0x20: {  	v1 =	vld.idx.msk [tilespmem:v2+s2+$0x0], $0xffff  }
0x21: {  	s13 =	smul.u32 $0x1F40, s11;
	_ =	sdelay $0x1  }
0x22: {  	s11 =	sadd.s32 $0x1, s11;
	s13 =	sadd.s32 s13, s6  }
0x23: {  	p0 =	sne.s32 s11, $0xA;
	s12 =	sadd.s32 $0x10, s12;
	s13 =	sshrl.u32 s13, $0x3  }
.Ltmp1:
0x24: {  	s31 =	sadd.s32 s4, s13;
	[tilespmem:s12+$0x0] =	vst v1;
	(pc) =	sbr.rel @p0 .LBB2_2-.Ltmp1, $4  }
0x25: {  	[hbm4b:s31+s2] =	stream.linear.scatter [tilespmem:s9], [sflag:$0x1], $0x1F40, $0x38;
	[tilespmem:$0x7D80] =	vst v63  }
0x26: {  	_ =	swait.ge [sflag:s8], $0x1F40  }
0x27: {  	[sflag:s8] =	ssyncset.done $0x0  }
0x28: {  	[sflag:s8] =	ssyncadd.s32 $0xFFFFE0C0  }
0x29: {  	s10 =	sadd.s32 $0x1, s10  }
0x2a: {  	p0 =	sne.s32 s10, s7  }
.Ltmp2:
0x2b: {  	_ = 	snop;
	(pc) =	sbr.rel @p0 .LBB2_1-.Ltmp2, $1  }
0x2c: {  	_ =	sdelay $0x3  }
0x2d: {  	_ =	sfence.sel $0x180000  }
0x2e: {  	[bflag:$0x0] =	sbarrier.arrive $0xFFFF  }
0x2f: {  	p0 =	sne.s32 s0, $0x0;
	_ =	strace $0x90000047  }
0x30: {  	s0 =	sadd.s32 @!p0 $0x100000, s1;
	[bflag:$0x2] =	sbarrier.arrive $0xFFFF  }
0x31: {  	[sflag:s0] =	ssyncadd.tile.s32 @!p0 $0x1;
	_ =	shalt  }
.Lfunc_end2:
_tile_overlayer_lowered:
.L_overlay_start_2:
0x32: {  	(tag) =	ssettag $0x2  }
0x33: {  	s0 =	rddreg [dreg:$0x0];
	s2 =	stileid.u32  }
0x34: {  	s1 =	rddreg [dreg:$0x1];
	p0 =	sne.s32 s2, $0x0  }
0x35: {  	s3 =	rddreg [dreg:$0x2];
	[bflag:$0x3] =	sbarrier.arrive $0xFFFF;
	s2 =	simm.s32 @!p0 $0x1C01  }
0x36: {  	[timem:s3], [sflag:s2] =	dma.local @!p0 [hbm:s0], s1  }
0x37: {  	s0 =	simm.s32 @!p0 $0x1  }
0x38: {  	_ =	swait.ge @!p0 [sflag:s0], s1  }
0x39: {  	s1 =	ssub.s32 @!p0 $0x0, s1;
	[sflag:s0] =	ssyncset.done @!p0 $0x0  }
0x3a: {  	[sflag:s0] =	ssyncadd.s32 @!p0 s1  }
0x3b: {  	[bflag:$0x3] =	sbarrier.arrive $0xFFFF  }
0x3c: {  	_ =	shalt  }

</sc_bundles>
